<compile_context>
chip_gen: v7x
topology: tpu7x:2x2x1
jax: 0.10.2.dev20260603
libtpu: 0.0.44.dev20260713+nightly
codegen_flags: <defaults>
</compile_context>

<pallas_src>
import jax
import jax.numpy as jnp
from jax.experimental import pallas as pl
from jax.experimental.pallas import tpu as pltpu


def _pool_stats_kernel(xq_ref, xp_ref, mx_ref, s_ref):
    b = pl.program_id(0)
    xq = xq_ref[0]
    p = xq.shape[1]
    xp = jnp.sum(xq, axis=1) * (1.0 / p)
    xp_ref[0] = xp
    mx_ref[0] = jnp.mean(xp, axis=-1, keepdims=True)
    prod = jax.lax.dot_general(xp, xp, (((1,), (1,)), ((), ())),
                               preferred_element_type=jnp.float32)

    @pl.when(b == 0)
    def _():
        s_ref[...] = prod

    @pl.when(b != 0)
    def _():
        s_ref[...] += prod


def _gate_fold_kernel(n_experts, n_count,
                      mx_ref, s_ref, gw_ref, gb_ref, cw_ref, cb_ref,
                      gam_ref, bet_ref,
                      wf_ref, bf_ref, eidx_ref, ew_ref):
    mx = mx_ref[...]
    bsz, _ = mx.shape
    n_logits = gw_ref.shape[0]
    logits = jax.lax.dot_general(mx, gw_ref[...], (((1,), (1,)), ((), ())),
                                 preferred_element_type=jnp.float32)
    logits = logits + gb_ref[...]
    z = logits - jnp.max(logits, axis=-1, keepdims=True)
    ez = jnp.exp(z)
    sm = ez / jnp.sum(ez, axis=-1, keepdims=True)
    cols = jax.lax.broadcasted_iota(jnp.int32, sm.shape, 1)
    v1 = jnp.max(sm, axis=-1, keepdims=True)
    a1 = jnp.min(jnp.where(sm == v1, cols, n_logits), axis=-1, keepdims=True)
    sm2 = jnp.where(cols == a1, -1.0, sm)
    v2 = jnp.max(sm2, axis=-1, keepdims=True)
    a2 = jnp.min(jnp.where(sm2 == v2, cols, n_logits), axis=-1, keepdims=True)
    den = v1 + v2
    w1 = jnp.where(a1 < n_experts, v1 / den, 0.0)
    w2 = jnp.where(a2 < n_experts, v2 / den, 0.0)
    e1 = jnp.minimum(a1, n_experts - 1)
    e2 = jnp.minimum(a2, n_experts - 1)
    eidx_ref[...] = jnp.concatenate([e1, e2], axis=1)
    ew_ref[...] = jnp.concatenate([w1, w2], axis=1)

    mean_all = jnp.mean(mx, axis=0, keepdims=True)
    outer = jax.lax.dot_general(mean_all, mean_all, (((0,), (0,)), ((), ())),
                                preferred_element_type=jnp.float32)
    cov = s_ref[...] * (1.0 / n_count) - outer
    cw = cw_ref[...]
    ws = jax.lax.dot_general(cw, cov, (((1,), (0,)), ((), ())),
                             preferred_element_type=jnp.float32)
    var = jnp.sum(ws * cw, axis=-1, keepdims=True)
    mu_x = jax.lax.dot_general(cw, mean_all, (((1,), (1,)), ((), ())),
                               preferred_element_type=jnp.float32)
    inv = gam_ref[...] * jax.lax.rsqrt(var + 1e-5)
    wf_ref[...] = cw * inv
    bf_ref[...] = -mu_x * inv + bet_ref[...]


def _moe_kernel(eidx_ref, ew_ref, wf_ref, bf_ref, xp_ref, out_ref):
    b = pl.program_id(0)
    k = pl.program_id(1)
    w = ew_ref[b, k]
    z = jax.lax.dot_general(wf_ref[0], xp_ref[0], (((1,), (0,)), ((), ())),
                            preferred_element_type=jnp.float32)
    y = jnp.maximum(z + bf_ref[0], 0.0) * w

    @pl.when(k == 0)
    def _():
        out_ref[0] = y

    @pl.when(k != 0)
    def _():
        out_ref[0] += y


def kernel(x, conv_w, conv_b, bn_gamma, bn_beta, gate_w, gate_b):
    B, NB, T = x.shape
    E, C, _ = conv_w.shape
    P = 4
    K = 2
    TP = T // P
    N = B * TP

    f32 = jnp.float32
    xq = x.reshape(B, NB, TP, P).swapaxes(2, 3)

    xp, mx3, s = pl.pallas_call(
        _pool_stats_kernel,
        grid=(B,),
        in_specs=[pl.BlockSpec((1, NB, P, TP), lambda b: (b, 0, 0, 0))],
        out_specs=[pl.BlockSpec((1, NB, TP), lambda b: (b, 0, 0)),
                   pl.BlockSpec((1, NB, 1), lambda b: (b, 0, 0)),
                   pl.BlockSpec((NB, NB), lambda b: (0, 0))],
        out_shape=[jax.ShapeDtypeStruct((B, NB, TP), f32),
                   jax.ShapeDtypeStruct((B, NB, 1), f32),
                   jax.ShapeDtypeStruct((NB, NB), f32)],
    )(xq)
    mx = mx3.reshape(B, NB)

    import functools
    gate_fold = functools.partial(_gate_fold_kernel, E, N)
    wf_flat, bf_flat, eidx, ew = pl.pallas_call(
        gate_fold,
        out_shape=[jax.ShapeDtypeStruct((E * C, NB), f32),
                   jax.ShapeDtypeStruct((E * C, 1), f32),
                   jax.ShapeDtypeStruct((B, K), jnp.int32),
                   jax.ShapeDtypeStruct((B, K), f32)],
    )(mx, s, gate_w, gate_b.reshape(1, C),
      conv_w.reshape(E * C, NB), conv_b.reshape(E * C, 1),
      bn_gamma.reshape(E * C, 1), bn_beta.reshape(E * C, 1))

    wf = wf_flat.reshape(E, C, NB)
    bf = bf_flat.reshape(E, C, 1)

    out = pl.pallas_call(
        _moe_kernel,
        grid_spec=pltpu.PrefetchScalarGridSpec(
            num_scalar_prefetch=2,
            grid=(B, K),
            in_specs=[
                pl.BlockSpec((1, C, NB), lambda b, k, ei, w: (ei[b, k], 0, 0)),
                pl.BlockSpec((1, C, 1), lambda b, k, ei, w: (ei[b, k], 0, 0)),
                pl.BlockSpec((1, NB, TP), lambda b, k, ei, w: (b, 0, 0)),
            ],
            out_specs=pl.BlockSpec((1, C, TP), lambda b, k, ei, w: (b, 0, 0)),
        ),
        out_shape=jax.ShapeDtypeStruct((B, C, TP), f32),
    )(eidx, ew, wf, bf, xp)
    return out

# --- scband reference (transcript-rebuilt; emitter-appended) ---
"""Pipeline reference for scband-mo-e-77421080478077 (READ-ONLY COPY).

The authoritative reference and input builder live on the scoring server;
editing this copy changes nothing except your own understanding.
"""

import jax, jax.numpy as jnp
import numpy as np

E = 8      # num_experts
NB = 64    # nbands
M = 4      # m
C = M * NB # m * nbands = 256
P = 4      # poolsize
K = 2      # top_k
B = 32
T = 4096


def setup_inputs(seed: int = 0) -> dict:
    key = jax.random.key(seed)
    ks = jax.random.split(key, 6)
    x = jax.random.normal(ks[0], (B, NB, T), dtype=jnp.float32)
    # per-expert Conv1d(kernel_size=1) weights: [E, out=C, in=NB]
    conv_w = jax.random.normal(ks[1], (E, C, NB), dtype=jnp.float32) / np.sqrt(NB)
    conv_b = jax.random.normal(ks[2], (E, C), dtype=jnp.float32) * 0.01
    bn_gamma = jnp.ones((E, C), dtype=jnp.float32)
    bn_beta = jnp.zeros((E, C), dtype=jnp.float32)
    # gate: Linear(nbands, m*nbands)
    gate_w = jax.random.normal(ks[3], (C, NB), dtype=jnp.float32) / np.sqrt(NB)
    gate_b = jnp.zeros((C,), dtype=jnp.float32)
    return {"x": x, "conv_w": conv_w, "conv_b": conv_b,
            "bn_gamma": bn_gamma, "bn_beta": bn_beta,
            "gate_w": gate_w, "gate_b": gate_b}


def reference(x, conv_w, conv_b, bn_gamma, bn_beta, gate_w, gate_b):
    # gate_weights = softmax(Linear(x.mean(-1))) over m*nbands logits
    logits = jnp.mean(x, axis=-1) @ gate_w.T + gate_b          # [B, C]
    gw = jax.nn.softmax(logits, axis=-1)
    # top-k mask (computed under no_grad in torch -> stop_gradient here)
    _, topk_idx = jax.lax.top_k(gw, K)                          # [B, K]
    mask = jnp.zeros_like(gw).at[jnp.arange(gw.shape[0])[:, None], topk_idx].set(1.0)
    mask = jax.lax.stop_gradient(mask)
    gw = gw * mask
    gw = gw / jnp.sum(gw, axis=-1, keepdims=True)
    Tp = x.shape[-1] // P
    out = jnp.zeros((x.shape[0], C, Tp), dtype=x.dtype)
    for i in range(E):
        # Conv1d kernel_size=1 == per-timestep matmul
        y = jnp.einsum('bct,oc->bot', x, conv_w[i]) + conv_b[i][None, :, None]
        # AvgPool1d(kernel=P, stride=P)
        y = y[:, :, :Tp * P].reshape(y.shape[0], y.shape[1], Tp, P).mean(axis=-1)
        # BatchNorm1d in training mode: batch statistics over (batch, length)
        mean = jnp.mean(y, axis=(0, 2), keepdims=True)
        var = jnp.var(y, axis=(0, 2), keepdims=True)
        y = (y - mean) / jnp.sqrt(var + 1e-5)
        y = y * bn_gamma[i][None, :, None] + bn_beta[i][None, :, None]
        y = jax.nn.relu(y)
        out = out + gw[:, i][:, None, None] * y
    return out

if __name__ == "__main__":
    import jax
    _d = setup_inputs()
    print(jax.jit(kernel)(*tuple(_d.values())))

</pallas_src>

<mosaic_0001>
module attributes {stable_mosaic.version = 14 : i64} {
  func.func @_pool_stats_kernel(%arg0: i32, %arg1: memref<1x64x4x1024xf32, #tpu.memory_space<vmem>>, %arg2: memref<1x64x1024xf32, #tpu.memory_space<vmem>>, %arg3: memref<1x64x1xf32, #tpu.memory_space<vmem>>, %arg4: memref<64x64xf32, #tpu.memory_space<vmem>>) attributes {dimension_semantics = [#tpu.dimension_semantics<arbitrary>], iteration_bounds = array<i64: 32>, scalar_prefetch = 0 : i64, scratch_operands = 0 : i64, tpu.core_type = #tpu.core_type<tc>, window_params = [{transform_indices = @transform_0, window_bounds = array<i64: 1, 64, 4, 1024>}, {transform_indices = @transform_1, window_bounds = array<i64: 1, 64, 1024>}, {transform_indices = @transform_2, window_bounds = array<i64: 1, 64, 1>}, {pipeline_mode = #tpu.pipeline_mode<synchronous>, transform_indices = @transform_3, window_bounds = array<i64: 64, 64>}]} {
    %get3A = arith.constant 0 : index
    %get3A_0 = arith.constant 0 : index
    %get3A_1 = arith.constant 0 : index
    %get3A_2 = arith.constant 0 : index
    %get3A_3 = vector.load %arg1[%get3A, %get3A_0, %get3A_1, %get3A_2] : memref<1x64x4x1024xf32, #tpu.memory_space<vmem>>, vector<1x64x4x1024xf32>
    %get3A_4 = vector.shape_cast %get3A_3 : vector<1x64x4x1024xf32> to vector<64x4x1024xf32>
    %reduce_sum3A = arith.constant dense<0.000000e+00> : vector<64x1024xf32>
    %reduce_sum3A_5 = vector.multi_reduction <add>, %get3A_4, %reduce_sum3A [1] : vector<64x4x1024xf32> to vector<64x1024xf32>
    %mul3A = arith.constant 2.500000e-01 : f32
    %mul3A_6 = vector.broadcast %mul3A : f32 to vector<64x1024xf32>
    %mul3A_7 = arith.mulf %reduce_sum3A_5, %mul3A_6 : vector<64x1024xf32>
    %swap3A = arith.constant 0 : index
    %swap3A_8 = arith.constant 0 : index
    %swap3A_9 = arith.constant 0 : index
    %swap3A_10 = vector.load %arg2[%swap3A, %swap3A_8, %swap3A_9] : memref<1x64x1024xf32, #tpu.memory_space<vmem>>, vector<1x64x1024xf32>
    %swap3A_11 = vector.shape_cast %swap3A_10 : vector<1x64x1024xf32> to vector<64x1024xf32>
    %swap3A_12 = vector.shape_cast %mul3A_7 : vector<64x1024xf32> to vector<1x64x1024xf32>
    tpu.vector_store %arg2[%swap3A, %swap3A_8, %swap3A_9], %swap3A_12 {strides = array<i32>} : memref<1x64x1024xf32, #tpu.memory_space<vmem>>, vector<1x64x1024xf32>,
    %reduce_sum3A_13 = arith.constant dense<0.000000e+00> : vector<64xf32>
    %reduce_sum3A_14 = vector.multi_reduction <add>, %mul3A_7, %reduce_sum3A_13 [1] : vector<64x1024xf32> to vector<64xf32>
    %broadcast_in_dim3A = vector.shape_cast %reduce_sum3A_14 : vector<64xf32> to vector<64x1xf32>
    %div3A = arith.constant 1.024000e+03 : f32
    %div3A_15 = vector.broadcast %div3A : f32 to vector<64x1xf32>
    %div3A_16 = arith.divf %broadcast_in_dim3A, %div3A_15 : vector<64x1xf32>
    %swap3A_17 = arith.constant 0 : index
    %swap3A_18 = arith.constant 0 : index
    %swap3A_19 = arith.constant 0 : index
    %swap3A_20 = vector.load %arg3[%swap3A_17, %swap3A_18, %swap3A_19] : memref<1x64x1xf32, #tpu.memory_space<vmem>>, vector<1x64x1xf32>
    %swap3A_21 = vector.shape_cast %swap3A_20 : vector<1x64x1xf32> to vector<64x1xf32>
    %swap3A_22 = vector.shape_cast %div3A_16 : vector<64x1xf32> to vector<1x64x1xf32>
    tpu.vector_store %arg3[%swap3A_17, %swap3A_18, %swap3A_19], %swap3A_22 {strides = array<i32>} : memref<1x64x1xf32, #tpu.memory_space<vmem>>, vector<1x64x1xf32>,
    %dot_general3A = arith.constant dense<0.000000e+00> : vector<64x64xf32>
    %dot_general3A_23 = tpu.matmul %mul3A_7, %mul3A_7, %dot_general3A {dimension_numbers = #tpu.dot_dimension_numbers<[1], [1], [0], [0], [0, 0, 1, 0], [], []>, transpose_lhs_hint = false} : vector<64x1024xf32>, vector<64x1024xf32>, vector<64x64xf32> -> vector<64x64xf32>
    %eq3A = arith.constant 0 : i32
    %eq3A_24 = arith.cmpi eq, %arg0, %eq3A : i32
    %convert_element_type3A = arith.extui %eq3A_24 : i1 to i32
    %cond3A = arith.constant 0 : i32
    %cond3A_25 = arith.cmpi ne, %convert_element_type3A, %cond3A : i32
    scf.if %cond3A_25 {
      %swap3A_30 = arith.constant 0 : index
      %swap3A_31 = arith.constant 0 : index
      %swap3A_32 = vector.load %arg4[%swap3A_30, %swap3A_31] : memref<64x64xf32, #tpu.memory_space<vmem>>, vector<64x64xf32>
      tpu.vector_store %arg4[%swap3A_30, %swap3A_31], %dot_general3A_23 {strides = array<i32>} : memref<64x64xf32, #tpu.memory_space<vmem>>, vector<64x64xf32>,
    } else {
    }
    %ne3A = arith.constant 0 : i32
    %ne3A_26 = arith.cmpi ne, %arg0, %ne3A : i32
    %convert_element_type3A_27 = arith.extui %ne3A_26 : i1 to i32
    %cond3A_28 = arith.constant 0 : i32
    %cond3A_29 = arith.cmpi ne, %convert_element_type3A_27, %cond3A_28 : i32
    scf.if %cond3A_29 {
      %get3A_30 = arith.constant 0 : index
      %get3A_31 = arith.constant 0 : index
      %get3A_32 = vector.load %arg4[%get3A_30, %get3A_31] : memref<64x64xf32, #tpu.memory_space<vmem>>, vector<64x64xf32>
      %add3A = arith.addf %get3A_32, %dot_general3A_23 : vector<64x64xf32>
      %swap3A_33 = arith.constant 0 : index
      %swap3A_34 = arith.constant 0 : index
      %swap3A_35 = vector.load %arg4[%swap3A_33, %swap3A_34] : memref<64x64xf32, #tpu.memory_space<vmem>>, vector<64x64xf32>
      tpu.vector_store %arg4[%swap3A_33, %swap3A_34], %add3A {strides = array<i32>} : memref<64x64xf32, #tpu.memory_space<vmem>>, vector<64x64xf32>,
    } else {
    }
    return
  }
  func.func @transform_0(%arg0: i32) -> (i32, i32, i32, i32) {
    %c0_i32 = arith.constant 0 : i32
    %c0_i32_0 = arith.constant 0 : i32
    %c0_i32_1 = arith.constant 0 : i32
    %c0_i32_2 = arith.constant 0 : i32
    return %arg0, %c0_i32, %c0_i32_0, %c0_i32_1 : i32, i32, i32, i32
  }
  func.func @transform_1(%arg0: i32) -> (i32, i32, i32) {
    %c0_i32 = arith.constant 0 : i32
    %c0_i32_0 = arith.constant 0 : i32
    %c0_i32_1 = arith.constant 0 : i32
    return %arg0, %c0_i32, %c0_i32_0 : i32, i32, i32
  }
  func.func @transform_2(%arg0: i32) -> (i32, i32, i32) {
    %c0_i32 = arith.constant 0 : i32
    %c0_i32_0 = arith.constant 0 : i32
    %c0_i32_1 = arith.constant 0 : i32
    return %arg0, %c0_i32, %c0_i32_0 : i32, i32, i32
  }
  func.func @transform_3(%arg0: i32) -> (i32, i32) {
    %c0_i32 = arith.constant 0 : i32
    %c0_i32_0 = arith.constant 0 : i32
    %c0_i32_1 = arith.constant 0 : i32
    return %c0_i32, %c0_i32_0 : i32, i32
  }
}

module attributes {stable_mosaic.version = 14 : i64} {
  func.func @_gate_fold_kernel(%arg0: memref<32x64xf32, #tpu.memory_space<vmem>>, %arg1: memref<64x64xf32, #tpu.memory_space<vmem>>, %arg2: memref<256x64xf32, #tpu.memory_space<vmem>>, %arg3: memref<1x256xf32, #tpu.memory_space<vmem>>, %arg4: memref<2048x64xf32, #tpu.memory_space<vmem>>, %arg5: memref<2048x1xf32, #tpu.memory_space<vmem>>, %arg6: memref<2048x1xf32, #tpu.memory_space<vmem>>, %arg7: memref<2048x1xf32, #tpu.memory_space<vmem>>, %arg8: memref<2048x64xf32, #tpu.memory_space<vmem>>, %arg9: memref<2048x1xf32, #tpu.memory_space<vmem>>, %arg10: memref<32x2xi32, #tpu.memory_space<vmem>>, %arg11: memref<32x2xf32, #tpu.memory_space<vmem>>) attributes {dimension_semantics = [], scalar_prefetch = 0 : i64, scratch_operands = 0 : i64, tpu.core_type = #tpu.core_type<tc>} {
    %get3A = arith.constant 0 : index
    %get3A_0 = arith.constant 0 : index
    %get3A_1 = vector.load %arg0[%get3A, %get3A_0] : memref<32x64xf32, #tpu.memory_space<vmem>>, vector<32x64xf32>
    %get3A_2 = arith.constant 0 : index
    %get3A_3 = arith.constant 0 : index
    %get3A_4 = vector.load %arg2[%get3A_2, %get3A_3] : memref<256x64xf32, #tpu.memory_space<vmem>>, vector<256x64xf32>
    %dot_general3A = arith.constant dense<0.000000e+00> : vector<32x256xf32>
    %dot_general3A_5 = tpu.matmul %get3A_1, %get3A_4, %dot_general3A {dimension_numbers = #tpu.dot_dimension_numbers<[1], [1], [0], [0], [0, 0, 1, 0], [], []>, transpose_lhs_hint = false} : vector<32x64xf32>, vector<256x64xf32>, vector<32x256xf32> -> vector<32x256xf32>
    %get3A_6 = arith.constant 0 : index
    %get3A_7 = arith.constant 0 : index
    %get3A_8 = vector.load %arg3[%get3A_6, %get3A_7] : memref<1x256xf32, #tpu.memory_space<vmem>>, vector<1x256xf32>
    %add3A = vector.broadcast %get3A_8 : vector<1x256xf32> to vector<32x256xf32>
    %add3A_9 = arith.addf %dot_general3A_5, %add3A : vector<32x256xf32>
    %reduce_max3A = arith.constant dense<0xFF800000> : vector<32xf32>
    %reduce_max3A_10 = vector.multi_reduction <maximumf>, %add3A_9, %reduce_max3A [1] : vector<32x256xf32> to vector<32xf32>
    %broadcast_in_dim3A = vector.shape_cast %reduce_max3A_10 : vector<32xf32> to vector<32x1xf32>
    %sub3A = vector.broadcast %broadcast_in_dim3A : vector<32x1xf32> to vector<32x256xf32>
    %sub3A_11 = arith.subf %add3A_9, %sub3A : vector<32x256xf32>
    %exp3A = math.exp %sub3A_11 : vector<32x256xf32>
    %reduce_sum3A = arith.constant dense<0.000000e+00> : vector<32xf32>
    %reduce_sum3A_12 = vector.multi_reduction <add>, %exp3A, %reduce_sum3A [1] : vector<32x256xf32> to vector<32xf32>
    %broadcast_in_dim3A_13 = vector.shape_cast %reduce_sum3A_12 : vector<32xf32> to vector<32x1xf32>
    %div3A = vector.broadcast %broadcast_in_dim3A_13 : vector<32x1xf32> to vector<32x256xf32>
    %div3A_14 = arith.divf %exp3A, %div3A : vector<32x256xf32>
    %iota3A = tpu.iota {dimensions = array<i32: 1>} : vector<32x256xi32>
    %reduce_max3A_15 = arith.constant dense<0xFF800000> : vector<32xf32>
    %reduce_max3A_16 = vector.multi_reduction <maximumf>, %div3A_14, %reduce_max3A_15 [1] : vector<32x256xf32> to vector<32xf32>
    %broadcast_in_dim3A_17 = vector.shape_cast %reduce_max3A_16 : vector<32xf32> to vector<32x1xf32>
    %eq3A = vector.broadcast %broadcast_in_dim3A_17 : vector<32x1xf32> to vector<32x256xf32>
    %eq3A_18 = arith.cmpf oeq, %div3A_14, %eq3A : vector<32x256xf32>
    %jit3A = arith.constant 256 : i32
    %broadcast_in_dim3A_19 = vector.broadcast %jit3A : i32 to vector<32x256xi32>
    %select_n3A = arith.select %eq3A_18, %iota3A, %broadcast_in_dim3A_19 : vector<32x256xi1>, vector<32x256xi32>
    %reduce_min3A = arith.constant dense<2147483647> : vector<32xi32>
    %reduce_min3A_20 = vector.multi_reduction <minsi>, %select_n3A, %reduce_min3A [1] : vector<32x256xi32> to vector<32xi32>
    %broadcast_in_dim3A_21 = vector.shape_cast %reduce_min3A_20 : vector<32xi32> to vector<32x1xi32>
    %eq3A_22 = vector.broadcast %broadcast_in_dim3A_21 : vector<32x1xi32> to vector<32x256xi32>
    %eq3A_23 = arith.cmpi eq, %iota3A, %eq3A_22 : vector<32x256xi32>
    %jit3A_24 = arith.constant -1.000000e+00 : f32
    %broadcast_in_dim3A_25 = vector.broadcast %jit3A_24 : f32 to vector<32x256xf32>
    %select_n3A_26 = arith.select %eq3A_23, %broadcast_in_dim3A_25, %div3A_14 : vector<32x256xi1>, vector<32x256xf32>
    %reduce_max3A_27 = arith.constant dense<0xFF800000> : vector<32xf32>
    %reduce_max3A_28 = vector.multi_reduction <maximumf>, %select_n3A_26, %reduce_max3A_27 [1] : vector<32x256xf32> to vector<32xf32>
    %broadcast_in_dim3A_29 = vector.shape_cast %reduce_max3A_28 : vector<32xf32> to vector<32x1xf32>
    %eq3A_30 = vector.broadcast %broadcast_in_dim3A_29 : vector<32x1xf32> to vector<32x256xf32>
    %eq3A_31 = arith.cmpf oeq, %select_n3A_26, %eq3A_30 : vector<32x256xf32>
    %jit3A_32 = arith.constant 256 : i32
    %broadcast_in_dim3A_33 = vector.broadcast %jit3A_32 : i32 to vector<32x256xi32>
    %select_n3A_34 = arith.select %eq3A_31, %iota3A, %broadcast_in_dim3A_33 : vector<32x256xi1>, vector<32x256xi32>
    %reduce_min3A_35 = arith.constant dense<2147483647> : vector<32xi32>
    %reduce_min3A_36 = vector.multi_reduction <minsi>, %select_n3A_34, %reduce_min3A_35 [1] : vector<32x256xi32> to vector<32xi32>
    %broadcast_in_dim3A_37 = vector.shape_cast %reduce_min3A_36 : vector<32xi32> to vector<32x1xi32>
    %add3A_38 = arith.addf %broadcast_in_dim3A_17, %broadcast_in_dim3A_29 : vector<32x1xf32>
    %lt3A = arith.constant 8 : i32
    %lt3A_39 = vector.broadcast %lt3A : i32 to vector<32x1xi32>
    %lt3A_40 = arith.cmpi slt, %broadcast_in_dim3A_21, %lt3A_39 : vector<32x1xi32>
    %div3A_41 = arith.divf %broadcast_in_dim3A_17, %add3A_38 : vector<32x1xf32>
    %jit3A_42 = arith.constant 0.000000e+00 : f32
    %broadcast_in_dim3A_43 = vector.broadcast %jit3A_42 : f32 to vector<32x1xf32>
    %select_n3A_44 = arith.select %lt3A_40, %div3A_41, %broadcast_in_dim3A_43 : vector<32x1xi1>, vector<32x1xf32>
    %lt3A_45 = arith.constant 8 : i32
    %lt3A_46 = vector.broadcast %lt3A_45 : i32 to vector<32x1xi32>
    %lt3A_47 = arith.cmpi slt, %broadcast_in_dim3A_37, %lt3A_46 : vector<32x1xi32>
    %div3A_48 = arith.divf %broadcast_in_dim3A_29, %add3A_38 : vector<32x1xf32>
    %jit3A_49 = arith.constant 0.000000e+00 : f32
    %broadcast_in_dim3A_50 = vector.broadcast %jit3A_49 : f32 to vector<32x1xf32>
    %select_n3A_51 = arith.select %lt3A_47, %div3A_48, %broadcast_in_dim3A_50 : vector<32x1xi1>, vector<32x1xf32>
    %min3A = arith.constant 7 : i32
    %min3A_52 = vector.broadcast %min3A : i32 to vector<32x1xi32>
    %min3A_53 = arith.minsi %broadcast_in_dim3A_21, %min3A_52 : vector<32x1xi32>
    %min3A_54 = arith.constant 7 : i32
    %min3A_55 = vector.broadcast %min3A_54 : i32 to vector<32x1xi32>
    %min3A_56 = arith.minsi %broadcast_in_dim3A_37, %min3A_55 : vector<32x1xi32>
    %concatenate3A = tpu.concatenate %min3A_53, %min3A_56 in 1 : vector<32x1xi32>, vector<32x1xi32> -> vector<32x2xi32>
    %swap3A = arith.constant 0 : index
    %swap3A_57 = arith.constant 0 : index
    %swap3A_58 = vector.load %arg10[%swap3A, %swap3A_57] : memref<32x2xi32, #tpu.memory_space<vmem>>, vector<32x2xi32>
    tpu.vector_store %arg10[%swap3A, %swap3A_57], %concatenate3A {strides = array<i32>} : memref<32x2xi32, #tpu.memory_space<vmem>>, vector<32x2xi32>,
    %concatenate3A_59 = tpu.concatenate %select_n3A_44, %select_n3A_51 in 1 : vector<32x1xf32>, vector<32x1xf32> -> vector<32x2xf32>
    %swap3A_60 = arith.constant 0 : index
    %swap3A_61 = arith.constant 0 : index
    %swap3A_62 = vector.load %arg11[%swap3A_60, %swap3A_61] : memref<32x2xf32, #tpu.memory_space<vmem>>, vector<32x2xf32>
    tpu.vector_store %arg11[%swap3A_60, %swap3A_61], %concatenate3A_59 {strides = array<i32>} : memref<32x2xf32, #tpu.memory_space<vmem>>, vector<32x2xf32>,
    %reduce_sum3A_63 = arith.constant dense<0.000000e+00> : vector<64xf32>
    %reduce_sum3A_64 = vector.multi_reduction <add>, %get3A_1, %reduce_sum3A_63 [0] : vector<32x64xf32> to vector<64xf32>
    %broadcast_in_dim3A_65 = vector.shape_cast %reduce_sum3A_64 : vector<64xf32> to vector<1x64xf32>
    %div3A_66 = arith.constant 3.200000e+01 : f32
    %div3A_67 = vector.broadcast %div3A_66 : f32 to vector<1x64xf32>
    %div3A_68 = arith.divf %broadcast_in_dim3A_65, %div3A_67 : vector<1x64xf32>
    %dot_general3A_69 = arith.constant dense<0.000000e+00> : vector<64x64xf32>
    %dot_general3A_70 = tpu.matmul %div3A_68, %div3A_68, %dot_general3A_69 {dimension_numbers = #tpu.dot_dimension_numbers<[0], [0], [1], [1], [0, 1, 1, 1], [], []>, transpose_lhs_hint = false} : vector<1x64xf32>, vector<1x64xf32>, vector<64x64xf32> -> vector<64x64xf32>
    %get3A_71 = arith.constant 0 : index
    %get3A_72 = arith.constant 0 : index
    %get3A_73 = vector.load %arg1[%get3A_71, %get3A_72] : memref<64x64xf32, #tpu.memory_space<vmem>>, vector<64x64xf32>
    %mul3A = arith.constant 3.05175781E-5 : f32
    %mul3A_74 = vector.broadcast %mul3A : f32 to vector<64x64xf32>
    %mul3A_75 = arith.mulf %get3A_73, %mul3A_74 : vector<64x64xf32>
    %sub3A_76 = arith.subf %mul3A_75, %dot_general3A_70 : vector<64x64xf32>
    %get3A_77 = arith.constant 0 : index
    %get3A_78 = arith.constant 0 : index
    %get3A_79 = vector.load %arg4[%get3A_77, %get3A_78] : memref<2048x64xf32, #tpu.memory_space<vmem>>, vector<2048x64xf32>
    %dot_general3A_80 = arith.constant dense<0.000000e+00> : vector<2048x64xf32>
    %dot_general3A_81 = tpu.matmul %get3A_79, %sub3A_76, %dot_general3A_80 {dimension_numbers = #tpu.dot_dimension_numbers<[1], [0], [0], [1], [0, 0, 1, 1], [], []>, transpose_lhs_hint = false} : vector<2048x64xf32>, vector<64x64xf32>, vector<2048x64xf32> -> vector<2048x64xf32>
    %mul3A_82 = arith.mulf %dot_general3A_81, %get3A_79 : vector<2048x64xf32>
    %reduce_sum3A_83 = arith.constant dense<0.000000e+00> : vector<2048xf32>
    %reduce_sum3A_84 = vector.multi_reduction <add>, %mul3A_82, %reduce_sum3A_83 [1] : vector<2048x64xf32> to vector<2048xf32>
    %broadcast_in_dim3A_85 = vector.shape_cast %reduce_sum3A_84 : vector<2048xf32> to vector<2048x1xf32>
    %dot_general3A_86 = arith.constant dense<0.000000e+00> : vector<2048x1xf32>
    %dot_general3A_87 = tpu.matmul %get3A_79, %div3A_68, %dot_general3A_86 {dimension_numbers = #tpu.dot_dimension_numbers<[1], [1], [0], [0], [0, 0, 1, 0], [], []>, transpose_lhs_hint = false} : vector<2048x64xf32>, vector<1x64xf32>, vector<2048x1xf32> -> vector<2048x1xf32>
    %get3A_88 = arith.constant 0 : index
    %get3A_89 = arith.constant 0 : index
    %get3A_90 = vector.load %arg6[%get3A_88, %get3A_89] : memref<2048x1xf32, #tpu.memory_space<vmem>>, vector<2048x1xf32>
    %add3A_91 = arith.constant 9.99999974E-6 : f32
    %add3A_92 = vector.broadcast %add3A_91 : f32 to vector<2048x1xf32>
    %add3A_93 = arith.addf %broadcast_in_dim3A_85, %add3A_92 : vector<2048x1xf32>
    %rsqrt3A = math.rsqrt %add3A_93 : vector<2048x1xf32>
    %mul3A_94 = arith.mulf %get3A_90, %rsqrt3A : vector<2048x1xf32>
    %mul3A_95 = vector.broadcast %mul3A_94 : vector<2048x1xf32> to vector<2048x64xf32>
    %mul3A_96 = arith.mulf %get3A_79, %mul3A_95 : vector<2048x64xf32>
    %swap3A_97 = arith.constant 0 : index
    %swap3A_98 = arith.constant 0 : index
    %swap3A_99 = vector.load %arg8[%swap3A_97, %swap3A_98] : memref<2048x64xf32, #tpu.memory_space<vmem>>, vector<2048x64xf32>
    tpu.vector_store %arg8[%swap3A_97, %swap3A_98], %mul3A_96 {strides = array<i32>} : memref<2048x64xf32, #tpu.memory_space<vmem>>, vector<2048x64xf32>,
    %neg3A = arith.constant 0.000000e+00 : f32
    %neg3A_100 = vector.broadcast %neg3A : f32 to vector<2048x1xf32>
    %neg3A_101 = arith.subf %neg3A_100, %dot_general3A_87 : vector<2048x1xf32>
    %mul3A_102 = arith.mulf %neg3A_101, %mul3A_94 : vector<2048x1xf32>
    %get3A_103 = arith.constant 0 : index
    %get3A_104 = arith.constant 0 : index
    %get3A_105 = vector.load %arg7[%get3A_103, %get3A_104] : memref<2048x1xf32, #tpu.memory_space<vmem>>, vector<2048x1xf32>
    %add3A_106 = arith.addf %mul3A_102, %get3A_105 : vector<2048x1xf32>
    %swap3A_107 = arith.constant 0 : index
    %swap3A_108 = arith.constant 0 : index
    %swap3A_109 = vector.load %arg9[%swap3A_107, %swap3A_108] : memref<2048x1xf32, #tpu.memory_space<vmem>>, vector<2048x1xf32>
    tpu.vector_store %arg9[%swap3A_107, %swap3A_108], %add3A_106 {strides = array<i32>} : memref<2048x1xf32, #tpu.memory_space<vmem>>, vector<2048x1xf32>,
    return
  }
}

module attributes {stable_mosaic.version = 14 : i64} {
  func.func @_moe_kernel(%arg0: i32, %arg1: i32, %arg2: memref<32x2xi32, #tpu.memory_space<smem>>, %arg3: memref<32x2xf32, #tpu.memory_space<smem>>, %arg4: memref<1x256x64xf32, #tpu.memory_space<vmem>>, %arg5: memref<1x256x1xf32, #tpu.memory_space<vmem>>, %arg6: memref<1x64x1024xf32, #tpu.memory_space<vmem>>, %arg7: memref<1x256x1024xf32, #tpu.memory_space<vmem>>) attributes {dimension_semantics = [#tpu.dimension_semantics<arbitrary>, #tpu.dimension_semantics<arbitrary>], iteration_bounds = array<i64: 32, 2>, scalar_prefetch = 2 : i64, scratch_operands = 0 : i64, tpu.core_type = #tpu.core_type<tc>, window_params = [{transform_indices = @transform_0, window_bounds = array<i64: 1, 256, 64>}, {transform_indices = @transform_1, window_bounds = array<i64: 1, 256, 1>}, {transform_indices = @transform_2, window_bounds = array<i64: 1, 64, 1024>}, {transform_indices = @transform_3, window_bounds = array<i64: 1, 256, 1024>}]} {
    %get3A = arith.index_cast %arg0 : i32 to index
    %get3A_0 = arith.index_cast %arg1 : i32 to index
    %get3A_1 = memref.load %arg3[%get3A, %get3A_0] : memref<32x2xf32, #tpu.memory_space<smem>>
    %get3A_2 = arith.constant 0 : index
    %get3A_3 = arith.constant 0 : index
    %get3A_4 = arith.constant 0 : index
    %get3A_5 = vector.load %arg4[%get3A_2, %get3A_3, %get3A_4] : memref<1x256x64xf32, #tpu.memory_space<vmem>>, vector<1x256x64xf32>
    %get3A_6 = vector.shape_cast %get3A_5 : vector<1x256x64xf32> to vector<256x64xf32>
    %get3A_7 = arith.constant 0 : index
    %get3A_8 = arith.constant 0 : index
    %get3A_9 = arith.constant 0 : index
    %get3A_10 = vector.load %arg6[%get3A_7, %get3A_8, %get3A_9] : memref<1x64x1024xf32, #tpu.memory_space<vmem>>, vector<1x64x1024xf32>
    %get3A_11 = vector.shape_cast %get3A_10 : vector<1x64x1024xf32> to vector<64x1024xf32>
    %dot_general3A = arith.constant dense<0.000000e+00> : vector<256x1024xf32>
    %dot_general3A_12 = tpu.matmul %get3A_6, %get3A_11, %dot_general3A {dimension_numbers = #tpu.dot_dimension_numbers<[1], [0], [0], [1], [0, 0, 1, 1], [], []>, transpose_lhs_hint = false} : vector<256x64xf32>, vector<64x1024xf32>, vector<256x1024xf32> -> vector<256x1024xf32>
    %get3A_13 = arith.constant 0 : index
    %get3A_14 = arith.constant 0 : index
    %get3A_15 = arith.constant 0 : index
    %get3A_16 = vector.load %arg5[%get3A_13, %get3A_14, %get3A_15] : memref<1x256x1xf32, #tpu.memory_space<vmem>>, vector<1x256x1xf32>
    %get3A_17 = vector.shape_cast %get3A_16 : vector<1x256x1xf32> to vector<256x1xf32>
    %add3A = vector.broadcast %get3A_17 : vector<256x1xf32> to vector<256x1024xf32>
    %add3A_18 = arith.addf %dot_general3A_12, %add3A : vector<256x1024xf32>
    %max3A = arith.constant 0.000000e+00 : f32
    %max3A_19 = vector.broadcast %max3A : f32 to vector<256x1024xf32>
    %max3A_20 = arith.maximumf %add3A_18, %max3A_19 : vector<256x1024xf32>
    %mul3A = vector.broadcast %get3A_1 : f32 to vector<256x1024xf32>
    %mul3A_21 = arith.mulf %max3A_20, %mul3A : vector<256x1024xf32>
    %eq3A = arith.constant 0 : i32
    %eq3A_22 = arith.cmpi eq, %arg1, %eq3A : i32
    %convert_element_type3A = arith.extui %eq3A_22 : i1 to i32
    %cond3A = arith.constant 0 : i32
    %cond3A_23 = arith.cmpi ne, %convert_element_type3A, %cond3A : i32
    scf.if %cond3A_23 {
      %swap3A = arith.constant 0 : index
      %swap3A_28 = arith.constant 0 : index
      %swap3A_29 = arith.constant 0 : index
      %swap3A_30 = vector.load %arg7[%swap3A, %swap3A_28, %swap3A_29] : memref<1x256x1024xf32, #tpu.memory_space<vmem>>, vector<1x256x1024xf32>
      %swap3A_31 = vector.shape_cast %swap3A_30 : vector<1x256x1024xf32> to vector<256x1024xf32>
      %swap3A_32 = vector.shape_cast %mul3A_21 : vector<256x1024xf32> to vector<1x256x1024xf32>
      tpu.vector_store %arg7[%swap3A, %swap3A_28, %swap3A_29], %swap3A_32 {strides = array<i32>} : memref<1x256x1024xf32, #tpu.memory_space<vmem>>, vector<1x256x1024xf32>,
    } else {
    }
    %ne3A = arith.constant 0 : i32
    %ne3A_24 = arith.cmpi ne, %arg1, %ne3A : i32
    %convert_element_type3A_25 = arith.extui %ne3A_24 : i1 to i32
    %cond3A_26 = arith.constant 0 : i32
    %cond3A_27 = arith.cmpi ne, %convert_element_type3A_25, %cond3A_26 : i32
    scf.if %cond3A_27 {
      %get3A_28 = arith.constant 0 : index
      %get3A_29 = arith.constant 0 : index
      %get3A_30 = arith.constant 0 : index
      %get3A_31 = vector.load %arg7[%get3A_28, %get3A_29, %get3A_30] : memref<1x256x1024xf32, #tpu.memory_space<vmem>>, vector<1x256x1024xf32>
      %get3A_32 = vector.shape_cast %get3A_31 : vector<1x256x1024xf32> to vector<256x1024xf32>
      %add3A_33 = arith.addf %get3A_32, %mul3A_21 : vector<256x1024xf32>
      %swap3A = arith.constant 0 : index
      %swap3A_34 = arith.constant 0 : index
      %swap3A_35 = arith.constant 0 : index
      %swap3A_36 = vector.load %arg7[%swap3A, %swap3A_34, %swap3A_35] : memref<1x256x1024xf32, #tpu.memory_space<vmem>>, vector<1x256x1024xf32>
      %swap3A_37 = vector.shape_cast %swap3A_36 : vector<1x256x1024xf32> to vector<256x1024xf32>
      %swap3A_38 = vector.shape_cast %add3A_33 : vector<256x1024xf32> to vector<1x256x1024xf32>
      tpu.vector_store %arg7[%swap3A, %swap3A_34, %swap3A_35], %swap3A_38 {strides = array<i32>} : memref<1x256x1024xf32, #tpu.memory_space<vmem>>, vector<1x256x1024xf32>,
    } else {
    }
    return
  }
  func.func @transform_0(%arg0: i32, %arg1: i32, %arg2: memref<32x2xi32, #tpu.memory_space<smem>>, %arg3: memref<32x2xf32, #tpu.memory_space<smem>>) -> (i32, i32, i32) {
    %get3A = arith.index_cast %arg0 : i32 to index
    %get3A_0 = arith.index_cast %arg1 : i32 to index
    %get3A_1 = memref.load %arg2[%get3A, %get3A_0] : memref<32x2xi32, #tpu.memory_space<smem>>
    %c0_i32 = arith.constant 0 : i32
    %c0_i32_2 = arith.constant 0 : i32
    %c0_i32_3 = arith.constant 0 : i32
    return %get3A_1, %c0_i32, %c0_i32_2 : i32, i32, i32
  }
  func.func @transform_1(%arg0: i32, %arg1: i32, %arg2: memref<32x2xi32, #tpu.memory_space<smem>>, %arg3: memref<32x2xf32, #tpu.memory_space<smem>>) -> (i32, i32, i32) {
    %get3A = arith.index_cast %arg0 : i32 to index
    %get3A_0 = arith.index_cast %arg1 : i32 to index
    %get3A_1 = memref.load %arg2[%get3A, %get3A_0] : memref<32x2xi32, #tpu.memory_space<smem>>
    %c0_i32 = arith.constant 0 : i32
    %c0_i32_2 = arith.constant 0 : i32
    %c0_i32_3 = arith.constant 0 : i32
    return %get3A_1, %c0_i32, %c0_i32_2 : i32, i32, i32
  }
  func.func @transform_2(%arg0: i32, %arg1: i32, %arg2: memref<32x2xi32, #tpu.memory_space<smem>>, %arg3: memref<32x2xf32, #tpu.memory_space<smem>>) -> (i32, i32, i32) {
    %c0_i32 = arith.constant 0 : i32
    %c0_i32_0 = arith.constant 0 : i32
    %c0_i32_1 = arith.constant 0 : i32
    return %arg0, %c0_i32, %c0_i32_0 : i32, i32, i32
  }
  func.func @transform_3(%arg0: i32, %arg1: i32, %arg2: memref<32x2xi32, #tpu.memory_space<smem>>, %arg3: memref<32x2xf32, #tpu.memory_space<smem>>) -> (i32, i32, i32) {
    %c0_i32 = arith.constant 0 : i32
    %c0_i32_0 = arith.constant 0 : i32
    %c0_i32_1 = arith.constant 0 : i32
    return %arg0, %c0_i32, %c0_i32_0 : i32, i32, i32
  }
}

</mosaic_0001>

<sc_bundles>
// kernel: sparse-core-data-format-call.cloned.1.call-start
scs
called_computation_lowered:
.L_overlay_start_0:
0x0: {  	s2 =	sld [smem:$0x3FD9]  }
0x1: {  	s3 =	sld [smem:$0x3FFE];
	_ =	sdelay $0x1  }
0x2: {  	s1 =	srdreg.scid  }
0x3: {  	s0 =	sand.u32 $0x1, s1  }
0x4: {  	s18 =	sshll.u32 s0, $0xA;
	s2 =	sadd.s32 s3, s2  }
0x5: {  	s2 =	sadd.s32 s2, s18  }
0x6: {  	[smem:$0x3FC1] =	sst s2  }
0x7: {  	_ = 	snop  }
0x8: {  	s2 =	sld [smem:$0x3FD0];
	(tm) =	ssettm $0x1  }
0x9: {  	s19 =	sld [smem:$0x3FFB];
	_ =	sdelay $0x3  }
0xa: {  	_ =	strace s19  }
0xb: {  	s3 =	sld [smem:$0x3FFC];
	_ =	sdelay $0x3  }
0xc: {  	_ =	strace s3  }
0xd: {  	s3 =	sld [smem:$0x3FFD];
	_ =	sdelay $0x3  }
0xe: {  	_ =	strace s3  }
0xf: {  	_ =	strace $0x8FFFFFFF  }
0x10: {  	s20 =	sld [smem:$0x3FDB];
	_ =	sdelay $0x1  }
0x11: {  	s4 =	simm.s32 $_scs_section_size  }
0x12: {  	s5 =	simm.s32 $_size__tile_overlayer_lowered;
	s6 =	simm.s32 $_tile_overlayer_lowered  }
0x13: {  	s23 =	simm.s32 $0x1BFF;
	s22 =	sshll.u32 s6, $0x1;
	s3 =	sadd.s32 s4, s20  }
0x14: {  	s7 =	simm.s32 $0x0;
	s21 =	sshll.u32 s5, $0x1;
	s5 =	sadd.s32 s22, s3  }
0x15: {  	[timem:s7], [sflag:s23] =	dma.local [hbm:s5], s21  }
0x16: {  	_ =	swait.ge [sflag:s23], s21  }
0x17: {  	s4 =	ssub.s32 $0x0, s21;
	[sflag:s23] =	ssyncset.done $0x0  }
0x18: {  	[sflag:s23] =	ssyncadd.s32 s4;
	_ =	sdelay $0x1  }
0x19: {  	s24 =	simm.s32 $0x1B8B  }
0x1a: {  	_ =	swait.ge [sflag:s24], $0x1  }
0x1b: {  	[sflag:s24] =	ssyncset.done $0x0  }
0x1c: {  	s26 =	simm.s32 $0x1B8E;
	s25 =	sld [smem:$0x3FFE];
	[sflag:s24] =	ssyncadd.s32 $0xFFFFFFFF  }
0x1d: {  	s27 =	simm.s32 $execute0_lowered;
	[smem:$0x3FD2] =	sst s26  }
0x1e: {  	s5 =	sshll.u32 s27, $0x1;
	_ =	strace $0x80000046;
	[dreg:$0x1] =	wrdreg $0xFFFFFFFF  }
0x1f: {  	s28 =	simm.s32 $_size_execute0_lowered;
	s3 =	sadd.s32 s3, s5;
	[dreg:$0x0] =	wrdreg $0x0  }
0x20: {  	s5 =	sshll.u32 s28, $0x1;
	[dreg:$0x2] =	wrdreg s3  }
0x21: {  	[dreg:$0x3] =	wrdreg s5  }
0x22: {  	[dreg:$0x4] =	wrdreg $0xC0  }
0x23: {  	_ =	task [dreg:s7], $0x5FFFF  }
0x24: {  	[dreg:$0x1] =	wrdreg $0xFFFFFFFF  }
0x25: {  	[dreg:$0x0] =	wrdreg $0x60  }
0x26: {  	[dreg:$0x2] =	wrdreg s25  }
0x27: {  	[dreg:$0x3] =	wrdreg s2  }
0x28: {  	[dreg:$0x4] =	wrdreg $0x9  }
0x29: {  	_ =	task.clear_ibuf [dreg:s7], $0x5FFFF;
	_ =	strace $0x90000046  }
0x2a: {  	s29 =	simm.s32 $0x9;
	_ =	strace $0x80000048  }
0x2b: {  	_ =	swait.ge [sflag:s29], $0x1  }
0x2c: {  	[sflag:s29] =	ssyncadd.s32 $0xFFFFFFFF  }
0x2d: {  	_ =	strace $0x90000048  }
0x2e: {  	_ =	sfence  }
0x2f: {  	s30 =	sld [smem:$0x0];
	_ =	sdelay $0x2  }
0x30: {  	s31 =	sshll.u32 s1, $0xD;
	s1 =	sshrl.u32 s1, $0x2  }
0x31: {  	s3 =	sand.u32 $0x4000, s31;
	s1 =	sadd.s32 s1, s30  }
0x32: {  	s0 =	sor.u32 s3, s0;
	s1 =	sshll.u32 s1, $0x11  }
0x33: {  	s0 =	sor.u32 s1, s0  }
0x34: {  	s0 =	sadd.s32 $0x8F2B, s0  }
0x35: {  	[sflag:s0] =	ssyncadd.remote.s32 $0x1  }
0x36: {  	_ =	sfence.sel $0xFFFF  }
0x37: {  	[dreg:$0x0] =	wrdreg $0xFFFFFFFF;
	(pc) =	sbr.abs _section_cstart, $3  }
0x38: {  	[dreg:$0x1] =	wrdreg $0xFFFFFFFF  }
0x39: {  	_ =	task.clear_ibuf [dreg:s7], $0x2FFFF;
	_ =	strace $0x9FFFFFFF  }
0x3a: {  	(tm) =	ssettm $0x7FFFFFFF  }
0x3b: {  	_ =	shalt  }
tec
execute0_lowered:
.L_overlay_start_1:
0x0: {  	(tag) =	ssettag $0x1  }
0x1: {  	s4 =	rddreg [dreg:$0x0]  }
0x2: {  	s0 =	stileid.u32;
	s2 =	rddreg [dreg:$0x1]  }
0x3: {  	s1 =	rddreg [dreg:$0x2];
	_ =	strace $0x80000047;
	s5 =	srdreg.scid  }
0x4: {  	s31 =	simm.s32 $0x2;
	s14 =	simm.s32 $0x0;
	s9 =	simm.s32 $0x1000  }
0x5: {  	s16 =	simm.s32 $0x0;
	s15 =	simm.s32 $0x0;
	s3 =	sshll.u32 s0, $0x7  }
0x6: {  	s10 =	simm.s32 $0x0;
	s5 =	sshll.u32 s5, $0x4;
	s3 =	sand.u32 $0x380, s3  }
0x7: {  	s13 =	simm.s32 $0x0;
	s5 =	sand.u32 $0x10, s5;
	s6 =	ssub.s32 $0x400, s3  }
0x8: {  	s4 =	sadd.s32 $0x1000, s4;
	s5 =	sor.u32 s0, s5;
	s7 =	sand.u32 $0x380, s6  }
.Ltmp0:
0x9: {  	p0 =	sne.s32 s7, $0x0;
	s7 =	simm.s32 $0x1;
	(pc) =	sbr.rel .LBB1_1-.Ltmp0, $4  }
0xa: {  	s12 =	smov.u32 s3;
	s8 =	sshrl.u32 s6, $0xA;
	s7 =	simm.s32 @!p0 $0x0  }
0xb: {  	s5 =	sshrl.u32 s5, $0x3;
	s6 =	simm.s32 $0x1;
	s7 =	sadd.s32 s7, s8  }
0xc: {  	[sflag:s6] =	ssyncpa.u1 $0x0;
	s11 =	smov.u32 s5;
	s7 =	sshll.u32 s7, $0x5  }
0xd: {  	[sflag:s31] =	ssyncpa.u1 $0x0;
	p0 =	por $0x0, $0x0;
	s8 =	sor.u32 $0x1, s7  }
.LBB1_4:
0xe: {  	s19 =	sshll.u32 s15, $0x2;
	s20 =	sand.u32 $0x78, s15;
	s16 =	sshll.u32 s16, $0x7  }
0xf: {  	s29 =	sshrl.u32 s15, $0x1;
	s14 =	sshll.u32 s14, $0xF;
	s19 =	sand.u32 $0x200, s19  }
0x10: {  	s16 =	sand.u32 $0x180, s16;
	s30 =	sand.u32 $0x180, s29;
	s19 =	sor.u32 s20, s19  }
0x11: {  	[tilespmem:s18+$0x810 ss:$0x81] =	vst.msk $0xffff, v2;
	s31 =	sand.u32 $0x7, s15;
	s16 =	sor.u32 s16, s19;
	s19 =	sadd.s32 s2, s30  }
0x12: {  	[tilespmem:s18+$0x1020 ss:$0x81] =	vst.msk $0xffff, v0;
	s15 =	sshll.u32 s31, $0x12;
	s16 =	sshrl.u32 s16, $0x3;
	s14 =	sadd.s32 s14, s19  }
0x13: {  	[tilespmem:s18+$0x0 ss:$0x81] =	vst.msk $0xffff, v1;
	s15 =	sor.u32 $0x80, s15;
	s14 =	sadd.s32 s16, s14  }
0x14: {  	[hbm4b:s14+s15] =	stream.strided.scatter [tilespmem:s17], [sflag:$0x2], $0x2000, s9, s15, $0x20;
	[tilespmem:$0x8080] =	vst v63  }
.LBB1_5:
0x15: {  	s17 =	sadd.s32 $0x1, s10  }
0x16: {  	s14 =	sadd.s32 $0x4, s11;
	s18 =	smov.u32 s11;
	p2 =	sgt.s32 s17, $0x1F  }
0x17: {  	s18 =	smov.u32 @p2 s14  }
0x18: {  	s20 =	smov.u32 s12;
	s14 =	sadd.s32 $0x400, s12;
	p3 =	sgt.s32 s18, $0x3  }
0x19: {  	s20 =	smov.u32 @p3 s14  }
0x1a: {  	s17 =	simm.s32 @p2 $0x0;
	p2 =	sgt.s32 s20, $0x3FF  }
0x1b: {  	p1 =	slt.u32 s13, $0x2;
	s20 =	smov.u32 @p2 s3;
	p2 =	sne.s32 s13, s8  }
.Ltmp1:
0x1c: {  	s19 =	simm.s32 @!p1 $0x2;
	(pc) =	sbr.rel @!p2 .LBB1_6-.Ltmp1, $4  }
0x1d: {  	s16 =	smov.u32 s11;
	s15 =	smov.u32 s12;
	_ =	swait.ge @!p1 [sflag:s19], $0x2000  }
0x1e: {  	p0 =	por !p0, !p0;
	[sflag:s19] =	ssyncset.done @!p1 $0x0;
	s18 =	smov.u32 @p3 s5  }
0x1f: {  	s14 =	smov.u32 s10;
	[sflag:s19] =	ssyncadd.s32 @!p1 $0xFFFFE000;
	s10 =	smov.u32 s17  }
0x20: {  	s11 =	smov.u32 s18;
	s13 =	sadd.s32 $0x1, s13;
	s12 =	smov.u32 s20  }
.LBB1_1:
0x21: {  	p1 =	sge.u32 s13, s7;
	s31 =	sadd.s32 $0xFFFFFFFF, s13  }
0x22: {  	s17 =	sxor.u32 @!p1 $0xFFFFFFFF, s13;
	s18 =	sshll.u32 @!p1 s12, $0xB;
	s19 =	sshll.u32 @!p1 s11, $0x9  }
0x23: {  	s20 =	sshll.u32 @!p1 s10, $0x4;
	s17 =	sshll.u32 @!p1 s17, $0xD;
	s18 =	sadd.s32 @!p1 s4, s18  }
0x24: {  	s20 =	sand.u32 @!p1 $0x1F0, s20;
	s17 =	sand.u32 @!p1 $0x2000, s17;
	s18 =	sadd.s32 @!p1 s19, s18  }
0x25: {  	s19 =	simm.s32 @!p1 $0x40;
	s18 =	sadd.s32 @!p1 s20, s18;
	s20 =	simm.s32 @!p1 $0x4000  }
0x26: {  	[tilespmem:s17], [sflag:$0x1] =	stream.strided.gather @!p1 [hbm4b:s18+s19], $0x2000, s20, s19, $0x38;
	[tilespmem:$0x8080] =	vst v63  }
0x27: {  	p1 =	sge.u32 s31, s7  }
.Ltmp2:
0x28: {  	_ = 	snop;
	(pc) =	sbr.rel @p1 .LBB1_5-.Ltmp2, $1  }
0x29: {  	_ =	sdelay $0x3  }
0x2a: {  	s17 =	simm.s32 $0x1  }
0x2b: {  	_ =	swait.ge [sflag:s6], $0x2000;
	s17 =	simm.s32 @!p0 $0x0  }
0x2c: {  	[sflag:s6] =	ssyncset.done $0x0;
	s18 =	sshll.u32 s17, $0xD  }
0x2d: {  	[sflag:s6] =	ssyncadd.s32 $0xFFFFE000;
	s21 =	sor.u32 $0x20, s18  }
0x2e: {  	s17 =	smul.u32 $0x8100, s17;
	v3 =	vld [tilespmem:s21+$0x10]  }
0x2f: {  	s30 =	sand.u32 $0x1, s13;
	v2 =	vld [tilespmem:s21+$0xFFFFFFF0]  }
0x30: {  	s18 =	smul.u32 $0x8100, s30;
	s17 =	sshrl.u32 s17, $0x2;
	v0 =	vld [tilespmem:s21+$0x0]  }
0x31: {  	v1 =	vld [tilespmem:s21+$0xFFFFFFE0];
	s19 =	sor.u32 $0x4000, s17  }
0x32: {  	s31 =	sshrl.u32 s18, $0x2;
	s18 =	sadd.s32 $0x0, s19  }
0x33: {  	s20 =	simm.s32 $0x4;
	s21 =	sadd.s32 $0x40, s21;
	s17 =	sor.u32 $0x4000, s31;
	[tilespmem:s18+$0x1830 ss:$0x81] =	vst.msk $0xffff, v3  }
.LBB1_3:
0x34: {  	v3 =	vld [tilespmem:s21+$0x10];
	p1 =	sne.s32 s20, $0x1FC;
	[tilespmem:s18+$0x810 ss:$0x81] =	vst.msk $0xffff, v2;
	s22 =	smov.u32 s20;
	s20 =	sadd.s32 $0x4, s20  }
.Ltmp3:
0x35: {  	v2 =	vld [tilespmem:s21+$0xFFFFFFF0];
	[tilespmem:s18+$0x1020 ss:$0x81] =	vst.msk $0xffff, v0;
	(pc) =	sbr.rel @p1 .LBB1_3-.Ltmp3, $4  }
0x36: {  	v0 =	vld [tilespmem:s21+$0x0];
	[tilespmem:s18+$0x0 ss:$0x81] =	vst.msk $0xffff, v1  }
0x37: {  	s18 =	sshra.s32 s22, $0x2;
	v1 =	vld [tilespmem:s21+$0xFFFFFFE0]  }
0x38: {  	s18 =	sadd.s32 s18, s19  }
0x39: {  	s21 =	sadd.s32 $0x40, s21;
	[tilespmem:s18+$0x1830 ss:$0x81] =	vst.msk $0xffff, v3  }
.Ltmp4:
0x3a: {  	_ = 	snop;
	(pc) =	sbr.rel .LBB1_4-.Ltmp4, $1  }
0x3b: {  	_ =	sdelay $0x3  }
.LBB1_6:
0x3c: {  	_ =	sfence.sel $0x180000  }
0x3d: {  	s2 =	simm.s32 $0x1;
	[bflag:$0x0] =	sbarrier.arrive $0xFFFF  }
0x3e: {  	s31 =	simm.s32 $0x2;
	[sflag:s2] =	ssyncpa.u1 $0x1  }
0x3f: {  	[sflag:s31] =	ssyncpa.u1 $0x1  }
0x40: {  	p0 =	sne.s32 s0, $0x0;
	_ =	strace $0x90000047  }
0x41: {  	s0 =	sadd.s32 @!p0 $0x100000, s1;
	[bflag:$0x2] =	sbarrier.arrive $0xFFFF  }
0x42: {  	[sflag:s0] =	ssyncadd.tile.s32 @!p0 $0x1;
	_ =	shalt  }
.Lfunc_end1:
_tile_overlayer_lowered:
.L_overlay_start_2:
0x43: {  	(tag) =	ssettag $0x2  }
0x44: {  	s0 =	rddreg [dreg:$0x0];
	s2 =	stileid.u32  }
0x45: {  	s1 =	rddreg [dreg:$0x1];
	p0 =	sne.s32 s2, $0x0  }
0x46: {  	s3 =	rddreg [dreg:$0x2];
	[bflag:$0x3] =	sbarrier.arrive $0xFFFF;
	s2 =	simm.s32 @!p0 $0x1C01  }
0x47: {  	[timem:s3], [sflag:s2] =	dma.local @!p0 [hbm:s0], s1  }
0x48: {  	s0 =	simm.s32 @!p0 $0x1  }
0x49: {  	_ =	swait.ge @!p0 [sflag:s0], s1  }
0x4a: {  	s1 =	ssub.s32 @!p0 $0x0, s1;
	[sflag:s0] =	ssyncset.done @!p0 $0x0  }
0x4b: {  	[sflag:s0] =	ssyncadd.s32 @!p0 s1  }
0x4c: {  	[bflag:$0x3] =	sbarrier.arrive $0xFFFF  }
0x4d: {  	_ =	shalt  }

</sc_bundles>
